<compile_context>
chip_gen: v7x
topology: tpu7x:2x2x1
jax: 0.10.2.dev20260603
libtpu: 0.0.44.dev20260713+nightly
codegen_flags: <defaults>
</compile_context>

<pallas_src>
import functools

import jax
import jax.numpy as jnp
from jax import lax
from jax.experimental import pallas as pl
from jax.experimental.pallas import tpu as pltpu
from jax.experimental.pallas import tpu_sc as plsc

_TOPK = 0.1
_LAYER = 2
_K = 51
_KP = 56
_H = 8


def _wsel_body(te_ref, fr_ref, tgt_ref, idx_ref, wsel_ref):
    b = pl.program_id(0)
    T, D = te_ref.shape[1], te_ref.shape[2]
    te = te_ref[0]
    fr = fr_ref[0]
    tgt = tgt_ref[0]

    dn = (((1,), (1,)), ((), ()))
    num_row = lax.dot_general(fr, te, dn,
                              preferred_element_type=jnp.float32)
    ones_d = jnp.ones((1, D), jnp.float32)
    sqn_row = lax.dot_general(ones_d, te * te, dn,
                              preferred_element_type=jnp.float32)
    fr_norm = jnp.sqrt(jnp.sum(fr * fr))
    w_row = num_row / jnp.maximum(jnp.sqrt(sqn_row) * fr_norm, 1e-8)
    w_col = w_row.reshape(T, 1)

    ic = lax.broadcasted_iota(jnp.int32, (T, T), 0)
    ir = lax.broadcasted_iota(jnp.int32, (T, T), 1)
    beats = (w_col > w_row) | ((w_col == w_row) & (ic < ir))
    beats_f = jnp.where(beats, 1.0, 0.0)
    ones_t = jnp.ones((1, T), jnp.float32)
    rank_row = lax.dot_general(ones_t, beats_f, (((1,), (0,)), ((), ())),
                               preferred_element_type=jnp.float32)

    seq_len = jnp.sum((tgt != 0).astype(jnp.float32))
    cc = jnp.minimum(jnp.ceil(seq_len * _TOPK), float(_K))

    j_col = lax.broadcasted_iota(jnp.int32, (_KP, 1), 0).astype(jnp.float32)
    onehot = jnp.where(rank_row == j_col, 1.0, 0.0)
    t_col_f = lax.broadcasted_iota(jnp.int32, (T, 1), 0).astype(jnp.float32)
    cat = jnp.concatenate([t_col_f, w_col], axis=1)
    tw = lax.dot_general(onehot, cat, (((1,), (0,)), ((), ())),
                         preferred_element_type=jnp.float32)

    wsel_ref[0] = jnp.where(j_col < cc, tw[:, 1:2], 0.0)

    t_row = tw[:, 0:1].reshape(1, _KP)
    h_col = lax.broadcasted_iota(jnp.int32, (_H, 1), 0)
    base = (_LAYER * 32 + b) * (_H * T)
    idx = base + h_col * T + t_row.astype(jnp.int32)
    idx_ref[0] = idx


def _reduce_body(g_ref, wsel_ref, out_ref):
    g = g_ref[0]
    acc = g[0 * _KP:1 * _KP]
    for h in range(1, _H):
        acc = acc + g[h * _KP:(h + 1) * _KP]
    vals = jnp.maximum(wsel_ref[0] * (acc * (1.0 / _H)), 0.0)
    tot = jnp.max(vals, axis=0, keepdims=True)
    shifted = tot - jnp.min(tot)
    div = jnp.clip(jnp.max(shifted), 1e-12, 1.0)
    out_ref[0, 0] = shifted[0] / div


def _make_sc_gather(n_rows, M, B):
    mesh = plsc.VectorSubcoreMesh(core_axis_name="c", subcore_axis_name="s")

    @functools.partial(
        pl.kernel,
        mesh=mesh,
        out_type=jax.ShapeDtypeStruct((B, _H * _KP, M), jnp.float32),
        scratch_types=[
            pltpu.VMEM((_H, _KP), jnp.int32),
            pltpu.VMEM((_H * _KP, M), jnp.float32),
            pltpu.SemaphoreType.DMA,
        ],
        compiler_params=pltpu.CompilerParams(use_tc_tiling_on_sc=False),
    )
    def sc_gather(table_hbm, idx_hbm, out_hbm, idx_v, rows_v, sem):
        b = lax.axis_index("c") * 16 + lax.axis_index("s")
        pltpu.sync_copy(idx_hbm.at[b], idx_v)
        copies = [
            pltpu.async_copy(
                table_hbm.at[idx_v.at[h]],
                rows_v.at[pl.ds(h * _KP, _KP)],
                sem,
            )
            for h in range(_H)
        ]
        for cp in copies:
            cp.wait()
        pltpu.sync_copy(rows_v, out_hbm.at[b])

    return sc_gather


def kernel(fore_map, fore_rep_encoded, target_embed, align_attns, targets):
    B, T, D = target_embed.shape
    M = align_attns.shape[-1]

    fr3 = fore_rep_encoded.reshape(B, 1, D)
    tgt3 = targets.reshape(B, 1, T)

    idx, wsel = pl.pallas_call(
        _wsel_body,
        grid=(B,),
        in_specs=[
            pl.BlockSpec((1, T, D), lambda b: (b, 0, 0)),
            pl.BlockSpec((1, 1, D), lambda b: (b, 0, 0)),
            pl.BlockSpec((1, 1, T), lambda b: (b, 0, 0)),
        ],
        out_specs=[
            pl.BlockSpec((1, _H, _KP), lambda b: (b, 0, 0)),
            pl.BlockSpec((1, _KP, 1), lambda b: (b, 0, 0)),
        ],
        out_shape=[
            jax.ShapeDtypeStruct((B, _H, _KP), jnp.int32),
            jax.ShapeDtypeStruct((B, _KP, 1), jnp.float32),
        ],
    )(target_embed, fr3, tgt3)

    n_rows = align_attns.shape[0] * B * _H * T
    table = align_attns.reshape(n_rows, M)
    gathered = _make_sc_gather(n_rows, M, B)(table, idx)

    total_attn = pl.pallas_call(
        _reduce_body,
        grid=(B,),
        in_specs=[
            pl.BlockSpec((1, _H * _KP, M), lambda b: (b, 0, 0)),
            pl.BlockSpec((1, _KP, 1), lambda b: (b, 0, 0)),
        ],
        out_specs=pl.BlockSpec((1, 1, M), lambda b: (b, 0, 0)),
        out_shape=jax.ShapeDtypeStruct((B, 1, M), jnp.float32),
    )(gathered, wsel)

    return (jnp.squeeze(fore_map, axis=1), total_attn.reshape(B, M))

# --- scband reference (transcript-rebuilt; emitter-appended) ---
"""Pipeline reference for scband-cam-attn-con-32418413150714 (READ-ONLY COPY).

The authoritative reference and input builder live on the scoring server;
editing this copy changes nothing except your own understanding.
"""

import jax, jax.numpy as jnp
import numpy as np
import math


def _normalize(cams):
    cams = cams - jnp.min(cams, axis=-1, keepdims=True)
    cams_max = jnp.max(cams, axis=-1)[..., None]
    cams_max = jnp.clip(cams_max, 1e-12, 1.0)
    return cams / cams_max


def setup_inputs(seed: int = 0):
    key = jax.random.key(seed)
    ks = jax.random.split(key, 5)
    return {
        "fore_map": jax.random.normal(ks[0], (32, 1, 196), dtype=jnp.float32),
        "fore_rep_encoded": jax.random.normal(ks[1], (32, 1024), dtype=jnp.float32),
        "target_embed": jax.random.normal(ks[2], (32, 512, 1024), dtype=jnp.float32),
        "align_attns": jax.random.uniform(ks[3], (3, 32, 8, 512, 196), dtype=jnp.float32),
        "targets": jax.random.randint(ks[4], (32, 512), 0, 10000, dtype=jnp.int32),
    }


def reference(fore_map, fore_rep_encoded, target_embed, align_attns, targets):
    topk = 0.1
    layer_id = 2
    attns = jnp.mean(align_attns[layer_id], axis=1)  # [B, T, M]
    fore_map2 = jnp.squeeze(fore_map, axis=1)  # [B, M]
    b = fore_rep_encoded[:, None, :]  # [B, 1, D]
    num = jnp.sum(target_embed * b, axis=2)  # [B, T]
    denom = jnp.maximum(
        jnp.linalg.norm(target_embed, axis=2) * jnp.linalg.norm(b, axis=2), 1e-8
    )
    weights = (num / denom)[..., None]  # [B, T, 1]
    k = int(topk * weights.shape[1])
    _, idxs = jax.lax.top_k(weights[..., 0], k)  # [B, k]
    attns = jax.nn.relu(weights * attns)  # [B, T, M]
    seq_len = jnp.sum(targets != 0, axis=1)  # [B]
    c = jnp.ceil(seq_len.astype(jnp.float32) * topk).astype(jnp.int32)  # [B]
    sel_attn = jnp.take_along_axis(attns, idxs[..., None], axis=1)  # [B, k, M]
    mask = jnp.arange(k)[None, :] < c[:, None]  # [B, k]
    masked = jnp.where(mask[..., None], sel_attn, -jnp.inf)  # [B, k, M]
    total_attn = _normalize(jnp.max(masked, axis=1))  # [B, M]
    return (fore_map2, total_attn)

if __name__ == "__main__":
    import jax
    _d = setup_inputs()
    print(jax.jit(kernel)(*tuple(_d.values())))

</pallas_src>

<mosaic_0001>
#map = affine_map<(d0, d1) -> (0, 0)>
#map1 = affine_map<(d0, d1) -> (0, 0, 0)>
module attributes {stable_mosaic.version = 14 : i64} {
  func.func @sc_gather(%arg0: i32, %arg1: i32, %arg2: memref<393216x196xf32, #tpu.memory_space<hbm>>, %arg3: memref<32x8x56xi32, #tpu.memory_space<hbm>>, %arg4: memref<32x448x196xf32, #tpu.memory_space<hbm>>, %arg5: memref<8x56xi32, #tpu.memory_space<vmem>>, %arg6: memref<448x196xf32, #tpu.memory_space<vmem>>, %arg7: memref<!tpu.dma_semaphore, #tpu.memory_space<semaphore_mem>>) attributes {dimension_semantics = [#tpu.dimension_semantics<core_parallel>, #tpu.dimension_semantics<subcore_parallel>], iteration_bounds = array<i64: 2, 16>, scalar_prefetch = 0 : i64, scratch_operands = 3 : i64, tpu.core_type = #tpu.core_type<sc_vector_subcore>, window_params = [{transform_indices = #map}, {transform_indices = #map1}, {transform_indices = #map1}]} {
    %mul3A = arith.constant 16 : i32
    %mul3A_0 = arith.muli %arg0, %mul3A : i32
    %add3A = arith.addi %mul3A_0, %arg1 : i32
    "tpu.region"() ({
      %run_scoped3A = tpu.sem_alloc : memref<!tpu.dma_semaphore, #tpu.memory_space<semaphore_mem>>
      %dma_start3A_159 = arith.constant 0 : i32
      %dma_start3A_160 = arith.constant 0 : i32
      %dma_start3A_161 = tpu.memref_slice %arg3[%add3A, %dma_start3A_159, %dma_start3A_160] : memref<32x8x56xi32, #tpu.memory_space<hbm>> -> memref<1x8x56xi32, #tpu.memory_space<hbm>>
      %dma_start3A_162 = tpu.memref_squeeze %dma_start3A_161 : memref<1x8x56xi32, #tpu.memory_space<hbm>> -> memref<8x56xi32, #tpu.memory_space<hbm>>
      %dma_start3A_163 = arith.constant 0 : i32
      %dma_start3A_164 = arith.constant 0 : i32
      %dma_start3A_165 = tpu.memref_slice %arg3[%add3A, %dma_start3A_163, %dma_start3A_164] : memref<32x8x56xi32, #tpu.memory_space<hbm>> -> memref<1x8x56xi32, #tpu.memory_space<hbm>>
      %dma_start3A_166 = tpu.memref_squeeze %dma_start3A_165 : memref<1x8x56xi32, #tpu.memory_space<hbm>> -> memref<8x56xi32, #tpu.memory_space<hbm>>
      tpu.enqueue_dma source(%dma_start3A_166 : memref<8x56xi32, #tpu.memory_space<hbm>>) target(%arg5 : memref<8x56xi32, #tpu.memory_space<vmem>>) target_semaphore(%run_scoped3A : memref<!tpu.dma_semaphore, #tpu.memory_space<semaphore_mem>>)
      %dma_wait3A_167 = arith.constant 0 : i32
      %dma_wait3A_168 = arith.constant 0 : i32
      %dma_wait3A_169 = tpu.memref_slice %arg3[%add3A, %dma_wait3A_167, %dma_wait3A_168] : memref<32x8x56xi32, #tpu.memory_space<hbm>> -> memref<1x8x56xi32, #tpu.memory_space<hbm>>
      %dma_wait3A_170 = tpu.memref_squeeze %dma_wait3A_169 : memref<1x8x56xi32, #tpu.memory_space<hbm>> -> memref<8x56xi32, #tpu.memory_space<hbm>>
      %dma_wait3A_171 = arith.constant 0 : i32
      %dma_wait3A_172 = arith.constant 0 : i32
      %dma_wait3A_173 = tpu.memref_slice %arg3[%add3A, %dma_wait3A_171, %dma_wait3A_172] : memref<32x8x56xi32, #tpu.memory_space<hbm>> -> memref<1x8x56xi32, #tpu.memory_space<hbm>>
      %dma_wait3A_174 = tpu.memref_squeeze %dma_wait3A_173 : memref<1x8x56xi32, #tpu.memory_space<hbm>> -> memref<8x56xi32, #tpu.memory_space<hbm>>
      tpu.wait_dma2 semaphore(%run_scoped3A : memref<!tpu.dma_semaphore, #tpu.memory_space<semaphore_mem>>) src(%dma_wait3A_174 : memref<8x56xi32, #tpu.memory_space<hbm>>) dst(%arg5 : memref<8x56xi32, #tpu.memory_space<vmem>>)
      tpu.yield
    }) : () -> ()
    %dma_start3A = arith.constant 0 : i32
    %dma_start3A_1 = arith.constant 0 : i32
    %dma_start3A_2 = arith.constant 0 : i32
    %dma_start3A_3 = tpu.memref_slice %arg6[%dma_start3A_1, %dma_start3A_2] : memref<448x196xf32, #tpu.memory_space<vmem>> -> memref<56x196xf32, #tpu.memory_space<vmem>>
    %dma_start3A_4 = arith.constant 0 : i32
    %dma_start3A_5 = tpu.memref_slice %arg5[%dma_start3A, %dma_start3A_4] : memref<8x56xi32, #tpu.memory_space<vmem>> -> memref<1x56xi32, #tpu.memory_space<vmem>>
    %dma_start3A_6 = tpu.memref_squeeze %dma_start3A_5 : memref<1x56xi32, #tpu.memory_space<vmem>> -> memref<56xi32, #tpu.memory_space<vmem>>
    %dma_start3A_7 = arith.constant 0 : i32
    %dma_start3A_8 = arith.constant 0 : i32
    %dma_start3A_9 = tpu.memref_slice %arg2[%dma_start3A_7, %dma_start3A_8] : memref<393216x196xf32, #tpu.memory_space<hbm>> -> memref<393216x196xf32, #tpu.memory_space<hbm>>
    tpu.enqueue_indirect_dma source(%dma_start3A_9 : memref<393216x196xf32, #tpu.memory_space<hbm>>) target(%dma_start3A_3 : memref<56x196xf32, #tpu.memory_space<vmem>>) offsets(%dma_start3A_6 : memref<56xi32, #tpu.memory_space<vmem>>) semaphore(%arg7 : memref<!tpu.dma_semaphore, #tpu.memory_space<semaphore_mem>>)
    %dma_start3A_10 = arith.constant 1 : i32
    %dma_start3A_11 = arith.constant 56 : i32
    %dma_start3A_12 = arith.constant 0 : i32
    %dma_start3A_13 = tpu.memref_slice %arg6[%dma_start3A_11, %dma_start3A_12] : memref<448x196xf32, #tpu.memory_space<vmem>> -> memref<56x196xf32, #tpu.memory_space<vmem>>
    %dma_start3A_14 = arith.constant 0 : i32
    %dma_start3A_15 = tpu.memref_slice %arg5[%dma_start3A_10, %dma_start3A_14] : memref<8x56xi32, #tpu.memory_space<vmem>> -> memref<1x56xi32, #tpu.memory_space<vmem>>
    %dma_start3A_16 = tpu.memref_squeeze %dma_start3A_15 : memref<1x56xi32, #tpu.memory_space<vmem>> -> memref<56xi32, #tpu.memory_space<vmem>>
    %dma_start3A_17 = arith.constant 0 : i32
    %dma_start3A_18 = arith.constant 0 : i32
    %dma_start3A_19 = tpu.memref_slice %arg2[%dma_start3A_17, %dma_start3A_18] : memref<393216x196xf32, #tpu.memory_space<hbm>> -> memref<393216x196xf32, #tpu.memory_space<hbm>>
    tpu.enqueue_indirect_dma source(%dma_start3A_19 : memref<393216x196xf32, #tpu.memory_space<hbm>>) target(%dma_start3A_13 : memref<56x196xf32, #tpu.memory_space<vmem>>) offsets(%dma_start3A_16 : memref<56xi32, #tpu.memory_space<vmem>>) semaphore(%arg7 : memref<!tpu.dma_semaphore, #tpu.memory_space<semaphore_mem>>)
    %dma_start3A_20 = arith.constant 2 : i32
    %dma_start3A_21 = arith.constant 112 : i32
    %dma_start3A_22 = arith.constant 0 : i32
    %dma_start3A_23 = tpu.memref_slice %arg6[%dma_start3A_21, %dma_start3A_22] : memref<448x196xf32, #tpu.memory_space<vmem>> -> memref<56x196xf32, #tpu.memory_space<vmem>>
    %dma_start3A_24 = arith.constant 0 : i32
    %dma_start3A_25 = tpu.memref_slice %arg5[%dma_start3A_20, %dma_start3A_24] : memref<8x56xi32, #tpu.memory_space<vmem>> -> memref<1x56xi32, #tpu.memory_space<vmem>>
    %dma_start3A_26 = tpu.memref_squeeze %dma_start3A_25 : memref<1x56xi32, #tpu.memory_space<vmem>> -> memref<56xi32, #tpu.memory_space<vmem>>
    %dma_start3A_27 = arith.constant 0 : i32
    %dma_start3A_28 = arith.constant 0 : i32
    %dma_start3A_29 = tpu.memref_slice %arg2[%dma_start3A_27, %dma_start3A_28] : memref<393216x196xf32, #tpu.memory_space<hbm>> -> memref<393216x196xf32, #tpu.memory_space<hbm>>
    tpu.enqueue_indirect_dma source(%dma_start3A_29 : memref<393216x196xf32, #tpu.memory_space<hbm>>) target(%dma_start3A_23 : memref<56x196xf32, #tpu.memory_space<vmem>>) offsets(%dma_start3A_26 : memref<56xi32, #tpu.memory_space<vmem>>) semaphore(%arg7 : memref<!tpu.dma_semaphore, #tpu.memory_space<semaphore_mem>>)
    %dma_start3A_30 = arith.constant 3 : i32
    %dma_start3A_31 = arith.constant 168 : i32
    %dma_start3A_32 = arith.constant 0 : i32
    %dma_start3A_33 = tpu.memref_slice %arg6[%dma_start3A_31, %dma_start3A_32] : memref<448x196xf32, #tpu.memory_space<vmem>> -> memref<56x196xf32, #tpu.memory_space<vmem>>
    %dma_start3A_34 = arith.constant 0 : i32
    %dma_start3A_35 = tpu.memref_slice %arg5[%dma_start3A_30, %dma_start3A_34] : memref<8x56xi32, #tpu.memory_space<vmem>> -> memref<1x56xi32, #tpu.memory_space<vmem>>
    %dma_start3A_36 = tpu.memref_squeeze %dma_start3A_35 : memref<1x56xi32, #tpu.memory_space<vmem>> -> memref<56xi32, #tpu.memory_space<vmem>>
    %dma_start3A_37 = arith.constant 0 : i32
    %dma_start3A_38 = arith.constant 0 : i32
    %dma_start3A_39 = tpu.memref_slice %arg2[%dma_start3A_37, %dma_start3A_38] : memref<393216x196xf32, #tpu.memory_space<hbm>> -> memref<393216x196xf32, #tpu.memory_space<hbm>>
    tpu.enqueue_indirect_dma source(%dma_start3A_39 : memref<393216x196xf32, #tpu.memory_space<hbm>>) target(%dma_start3A_33 : memref<56x196xf32, #tpu.memory_space<vmem>>) offsets(%dma_start3A_36 : memref<56xi32, #tpu.memory_space<vmem>>) semaphore(%arg7 : memref<!tpu.dma_semaphore, #tpu.memory_space<semaphore_mem>>)
    %dma_start3A_40 = arith.constant 4 : i32
    %dma_start3A_41 = arith.constant 224 : i32
    %dma_start3A_42 = arith.constant 0 : i32
    %dma_start3A_43 = tpu.memref_slice %arg6[%dma_start3A_41, %dma_start3A_42] : memref<448x196xf32, #tpu.memory_space<vmem>> -> memref<56x196xf32, #tpu.memory_space<vmem>>
    %dma_start3A_44 = arith.constant 0 : i32
    %dma_start3A_45 = tpu.memref_slice %arg5[%dma_start3A_40, %dma_start3A_44] : memref<8x56xi32, #tpu.memory_space<vmem>> -> memref<1x56xi32, #tpu.memory_space<vmem>>
    %dma_start3A_46 = tpu.memref_squeeze %dma_start3A_45 : memref<1x56xi32, #tpu.memory_space<vmem>> -> memref<56xi32, #tpu.memory_space<vmem>>
    %dma_start3A_47 = arith.constant 0 : i32
    %dma_start3A_48 = arith.constant 0 : i32
    %dma_start3A_49 = tpu.memref_slice %arg2[%dma_start3A_47, %dma_start3A_48] : memref<393216x196xf32, #tpu.memory_space<hbm>> -> memref<393216x196xf32, #tpu.memory_space<hbm>>
    tpu.enqueue_indirect_dma source(%dma_start3A_49 : memref<393216x196xf32, #tpu.memory_space<hbm>>) target(%dma_start3A_43 : memref<56x196xf32, #tpu.memory_space<vmem>>) offsets(%dma_start3A_46 : memref<56xi32, #tpu.memory_space<vmem>>) semaphore(%arg7 : memref<!tpu.dma_semaphore, #tpu.memory_space<semaphore_mem>>)
    %dma_start3A_50 = arith.constant 5 : i32
    %dma_start3A_51 = arith.constant 280 : i32
    %dma_start3A_52 = arith.constant 0 : i32
    %dma_start3A_53 = tpu.memref_slice %arg6[%dma_start3A_51, %dma_start3A_52] : memref<448x196xf32, #tpu.memory_space<vmem>> -> memref<56x196xf32, #tpu.memory_space<vmem>>
    %dma_start3A_54 = arith.constant 0 : i32
    %dma_start3A_55 = tpu.memref_slice %arg5[%dma_start3A_50, %dma_start3A_54] : memref<8x56xi32, #tpu.memory_space<vmem>> -> memref<1x56xi32, #tpu.memory_space<vmem>>
    %dma_start3A_56 = tpu.memref_squeeze %dma_start3A_55 : memref<1x56xi32, #tpu.memory_space<vmem>> -> memref<56xi32, #tpu.memory_space<vmem>>
    %dma_start3A_57 = arith.constant 0 : i32
    %dma_start3A_58 = arith.constant 0 : i32
    %dma_start3A_59 = tpu.memref_slice %arg2[%dma_start3A_57, %dma_start3A_58] : memref<393216x196xf32, #tpu.memory_space<hbm>> -> memref<393216x196xf32, #tpu.memory_space<hbm>>
    tpu.enqueue_indirect_dma source(%dma_start3A_59 : memref<393216x196xf32, #tpu.memory_space<hbm>>) target(%dma_start3A_53 : memref<56x196xf32, #tpu.memory_space<vmem>>) offsets(%dma_start3A_56 : memref<56xi32, #tpu.memory_space<vmem>>) semaphore(%arg7 : memref<!tpu.dma_semaphore, #tpu.memory_space<semaphore_mem>>)
    %dma_start3A_60 = arith.constant 6 : i32
    %dma_start3A_61 = arith.constant 336 : i32
    %dma_start3A_62 = arith.constant 0 : i32
    %dma_start3A_63 = tpu.memref_slice %arg6[%dma_start3A_61, %dma_start3A_62] : memref<448x196xf32, #tpu.memory_space<vmem>> -> memref<56x196xf32, #tpu.memory_space<vmem>>
    %dma_start3A_64 = arith.constant 0 : i32
    %dma_start3A_65 = tpu.memref_slice %arg5[%dma_start3A_60, %dma_start3A_64] : memref<8x56xi32, #tpu.memory_space<vmem>> -> memref<1x56xi32, #tpu.memory_space<vmem>>
    %dma_start3A_66 = tpu.memref_squeeze %dma_start3A_65 : memref<1x56xi32, #tpu.memory_space<vmem>> -> memref<56xi32, #tpu.memory_space<vmem>>
    %dma_start3A_67 = arith.constant 0 : i32
    %dma_start3A_68 = arith.constant 0 : i32
    %dma_start3A_69 = tpu.memref_slice %arg2[%dma_start3A_67, %dma_start3A_68] : memref<393216x196xf32, #tpu.memory_space<hbm>> -> memref<393216x196xf32, #tpu.memory_space<hbm>>
    tpu.enqueue_indirect_dma source(%dma_start3A_69 : memref<393216x196xf32, #tpu.memory_space<hbm>>) target(%dma_start3A_63 : memref<56x196xf32, #tpu.memory_space<vmem>>) offsets(%dma_start3A_66 : memref<56xi32, #tpu.memory_space<vmem>>) semaphore(%arg7 : memref<!tpu.dma_semaphore, #tpu.memory_space<semaphore_mem>>)
    %dma_start3A_70 = arith.constant 7 : i32
    %dma_start3A_71 = arith.constant 392 : i32
    %dma_start3A_72 = arith.constant 0 : i32
    %dma_start3A_73 = tpu.memref_slice %arg6[%dma_start3A_71, %dma_start3A_72] : memref<448x196xf32, #tpu.memory_space<vmem>> -> memref<56x196xf32, #tpu.memory_space<vmem>>
    %dma_start3A_74 = arith.constant 0 : i32
    %dma_start3A_75 = tpu.memref_slice %arg5[%dma_start3A_70, %dma_start3A_74] : memref<8x56xi32, #tpu.memory_space<vmem>> -> memref<1x56xi32, #tpu.memory_space<vmem>>
    %dma_start3A_76 = tpu.memref_squeeze %dma_start3A_75 : memref<1x56xi32, #tpu.memory_space<vmem>> -> memref<56xi32, #tpu.memory_space<vmem>>
    %dma_start3A_77 = arith.constant 0 : i32
    %dma_start3A_78 = arith.constant 0 : i32
    %dma_start3A_79 = tpu.memref_slice %arg2[%dma_start3A_77, %dma_start3A_78] : memref<393216x196xf32, #tpu.memory_space<hbm>> -> memref<393216x196xf32, #tpu.memory_space<hbm>>
    tpu.enqueue_indirect_dma source(%dma_start3A_79 : memref<393216x196xf32, #tpu.memory_space<hbm>>) target(%dma_start3A_73 : memref<56x196xf32, #tpu.memory_space<vmem>>) offsets(%dma_start3A_76 : memref<56xi32, #tpu.memory_space<vmem>>) semaphore(%arg7 : memref<!tpu.dma_semaphore, #tpu.memory_space<semaphore_mem>>)
    %dma_wait3A = arith.constant 0 : i32
    %dma_wait3A_80 = arith.constant 0 : i32
    %dma_wait3A_81 = arith.constant 0 : i32
    %dma_wait3A_82 = tpu.memref_slice %arg6[%dma_wait3A_80, %dma_wait3A_81] : memref<448x196xf32, #tpu.memory_space<vmem>> -> memref<56x196xf32, #tpu.memory_space<vmem>>
    %dma_wait3A_83 = arith.constant 0 : i32
    %dma_wait3A_84 = tpu.memref_slice %arg5[%dma_wait3A, %dma_wait3A_83] : memref<8x56xi32, #tpu.memory_space<vmem>> -> memref<1x56xi32, #tpu.memory_space<vmem>>
    %dma_wait3A_85 = tpu.memref_squeeze %dma_wait3A_84 : memref<1x56xi32, #tpu.memory_space<vmem>> -> memref<56xi32, #tpu.memory_space<vmem>>
    %dma_wait3A_86 = arith.constant 0 : i32
    %dma_wait3A_87 = arith.constant 0 : i32
    %dma_wait3A_88 = tpu.memref_slice %arg2[%dma_wait3A_86, %dma_wait3A_87] : memref<393216x196xf32, #tpu.memory_space<hbm>> -> memref<393216x196xf32, #tpu.memory_space<hbm>>
    tpu.wait_indirect_dma semaphore(%arg7 : memref<!tpu.dma_semaphore, #tpu.memory_space<semaphore_mem>>) src(%dma_wait3A_88 : memref<393216x196xf32, #tpu.memory_space<hbm>>) dst(%dma_wait3A_82 : memref<56x196xf32, #tpu.memory_space<vmem>>)
    %dma_wait3A_89 = arith.constant 1 : i32
    %dma_wait3A_90 = arith.constant 56 : i32
    %dma_wait3A_91 = arith.constant 0 : i32
    %dma_wait3A_92 = tpu.memref_slice %arg6[%dma_wait3A_90, %dma_wait3A_91] : memref<448x196xf32, #tpu.memory_space<vmem>> -> memref<56x196xf32, #tpu.memory_space<vmem>>
    %dma_wait3A_93 = arith.constant 0 : i32
    %dma_wait3A_94 = tpu.memref_slice %arg5[%dma_wait3A_89, %dma_wait3A_93] : memref<8x56xi32, #tpu.memory_space<vmem>> -> memref<1x56xi32, #tpu.memory_space<vmem>>
    %dma_wait3A_95 = tpu.memref_squeeze %dma_wait3A_94 : memref<1x56xi32, #tpu.memory_space<vmem>> -> memref<56xi32, #tpu.memory_space<vmem>>
    %dma_wait3A_96 = arith.constant 0 : i32
    %dma_wait3A_97 = arith.constant 0 : i32
    %dma_wait3A_98 = tpu.memref_slice %arg2[%dma_wait3A_96, %dma_wait3A_97] : memref<393216x196xf32, #tpu.memory_space<hbm>> -> memref<393216x196xf32, #tpu.memory_space<hbm>>
    tpu.wait_indirect_dma semaphore(%arg7 : memref<!tpu.dma_semaphore, #tpu.memory_space<semaphore_mem>>) src(%dma_wait3A_98 : memref<393216x196xf32, #tpu.memory_space<hbm>>) dst(%dma_wait3A_92 : memref<56x196xf32, #tpu.memory_space<vmem>>)
    %dma_wait3A_99 = arith.constant 2 : i32
    %dma_wait3A_100 = arith.constant 112 : i32
    %dma_wait3A_101 = arith.constant 0 : i32
    %dma_wait3A_102 = tpu.memref_slice %arg6[%dma_wait3A_100, %dma_wait3A_101] : memref<448x196xf32, #tpu.memory_space<vmem>> -> memref<56x196xf32, #tpu.memory_space<vmem>>
    %dma_wait3A_103 = arith.constant 0 : i32
    %dma_wait3A_104 = tpu.memref_slice %arg5[%dma_wait3A_99, %dma_wait3A_103] : memref<8x56xi32, #tpu.memory_space<vmem>> -> memref<1x56xi32, #tpu.memory_space<vmem>>
    %dma_wait3A_105 = tpu.memref_squeeze %dma_wait3A_104 : memref<1x56xi32, #tpu.memory_space<vmem>> -> memref<56xi32, #tpu.memory_space<vmem>>
    %dma_wait3A_106 = arith.constant 0 : i32
    %dma_wait3A_107 = arith.constant 0 : i32
    %dma_wait3A_108 = tpu.memref_slice %arg2[%dma_wait3A_106, %dma_wait3A_107] : memref<393216x196xf32, #tpu.memory_space<hbm>> -> memref<393216x196xf32, #tpu.memory_space<hbm>>
    tpu.wait_indirect_dma semaphore(%arg7 : memref<!tpu.dma_semaphore, #tpu.memory_space<semaphore_mem>>) src(%dma_wait3A_108 : memref<393216x196xf32, #tpu.memory_space<hbm>>) dst(%dma_wait3A_102 : memref<56x196xf32, #tpu.memory_space<vmem>>)
    %dma_wait3A_109 = arith.constant 3 : i32
    %dma_wait3A_110 = arith.constant 168 : i32
    %dma_wait3A_111 = arith.constant 0 : i32
    %dma_wait3A_112 = tpu.memref_slice %arg6[%dma_wait3A_110, %dma_wait3A_111] : memref<448x196xf32, #tpu.memory_space<vmem>> -> memref<56x196xf32, #tpu.memory_space<vmem>>
    %dma_wait3A_113 = arith.constant 0 : i32
    %dma_wait3A_114 = tpu.memref_slice %arg5[%dma_wait3A_109, %dma_wait3A_113] : memref<8x56xi32, #tpu.memory_space<vmem>> -> memref<1x56xi32, #tpu.memory_space<vmem>>
    %dma_wait3A_115 = tpu.memref_squeeze %dma_wait3A_114 : memref<1x56xi32, #tpu.memory_space<vmem>> -> memref<56xi32, #tpu.memory_space<vmem>>
    %dma_wait3A_116 = arith.constant 0 : i32
    %dma_wait3A_117 = arith.constant 0 : i32
    %dma_wait3A_118 = tpu.memref_slice %arg2[%dma_wait3A_116, %dma_wait3A_117] : memref<393216x196xf32, #tpu.memory_space<hbm>> -> memref<393216x196xf32, #tpu.memory_space<hbm>>
    tpu.wait_indirect_dma semaphore(%arg7 : memref<!tpu.dma_semaphore, #tpu.memory_space<semaphore_mem>>) src(%dma_wait3A_118 : memref<393216x196xf32, #tpu.memory_space<hbm>>) dst(%dma_wait3A_112 : memref<56x196xf32, #tpu.memory_space<vmem>>)
    %dma_wait3A_119 = arith.constant 4 : i32
    %dma_wait3A_120 = arith.constant 224 : i32
    %dma_wait3A_121 = arith.constant 0 : i32
    %dma_wait3A_122 = tpu.memref_slice %arg6[%dma_wait3A_120, %dma_wait3A_121] : memref<448x196xf32, #tpu.memory_space<vmem>> -> memref<56x196xf32, #tpu.memory_space<vmem>>
    %dma_wait3A_123 = arith.constant 0 : i32
    %dma_wait3A_124 = tpu.memref_slice %arg5[%dma_wait3A_119, %dma_wait3A_123] : memref<8x56xi32, #tpu.memory_space<vmem>> -> memref<1x56xi32, #tpu.memory_space<vmem>>
    %dma_wait3A_125 = tpu.memref_squeeze %dma_wait3A_124 : memref<1x56xi32, #tpu.memory_space<vmem>> -> memref<56xi32, #tpu.memory_space<vmem>>
    %dma_wait3A_126 = arith.constant 0 : i32
    %dma_wait3A_127 = arith.constant 0 : i32
    %dma_wait3A_128 = tpu.memref_slice %arg2[%dma_wait3A_126, %dma_wait3A_127] : memref<393216x196xf32, #tpu.memory_space<hbm>> -> memref<393216x196xf32, #tpu.memory_space<hbm>>
    tpu.wait_indirect_dma semaphore(%arg7 : memref<!tpu.dma_semaphore, #tpu.memory_space<semaphore_mem>>) src(%dma_wait3A_128 : memref<393216x196xf32, #tpu.memory_space<hbm>>) dst(%dma_wait3A_122 : memref<56x196xf32, #tpu.memory_space<vmem>>)
    %dma_wait3A_129 = arith.constant 5 : i32
    %dma_wait3A_130 = arith.constant 280 : i32
    %dma_wait3A_131 = arith.constant 0 : i32
    %dma_wait3A_132 = tpu.memref_slice %arg6[%dma_wait3A_130, %dma_wait3A_131] : memref<448x196xf32, #tpu.memory_space<vmem>> -> memref<56x196xf32, #tpu.memory_space<vmem>>
    %dma_wait3A_133 = arith.constant 0 : i32
    %dma_wait3A_134 = tpu.memref_slice %arg5[%dma_wait3A_129, %dma_wait3A_133] : memref<8x56xi32, #tpu.memory_space<vmem>> -> memref<1x56xi32, #tpu.memory_space<vmem>>
    %dma_wait3A_135 = tpu.memref_squeeze %dma_wait3A_134 : memref<1x56xi32, #tpu.memory_space<vmem>> -> memref<56xi32, #tpu.memory_space<vmem>>
    %dma_wait3A_136 = arith.constant 0 : i32
    %dma_wait3A_137 = arith.constant 0 : i32
    %dma_wait3A_138 = tpu.memref_slice %arg2[%dma_wait3A_136, %dma_wait3A_137] : memref<393216x196xf32, #tpu.memory_space<hbm>> -> memref<393216x196xf32, #tpu.memory_space<hbm>>
    tpu.wait_indirect_dma semaphore(%arg7 : memref<!tpu.dma_semaphore, #tpu.memory_space<semaphore_mem>>) src(%dma_wait3A_138 : memref<393216x196xf32, #tpu.memory_space<hbm>>) dst(%dma_wait3A_132 : memref<56x196xf32, #tpu.memory_space<vmem>>)
    %dma_wait3A_139 = arith.constant 6 : i32
    %dma_wait3A_140 = arith.constant 336 : i32
    %dma_wait3A_141 = arith.constant 0 : i32
    %dma_wait3A_142 = tpu.memref_slice %arg6[%dma_wait3A_140, %dma_wait3A_141] : memref<448x196xf32, #tpu.memory_space<vmem>> -> memref<56x196xf32, #tpu.memory_space<vmem>>
    %dma_wait3A_143 = arith.constant 0 : i32
    %dma_wait3A_144 = tpu.memref_slice %arg5[%dma_wait3A_139, %dma_wait3A_143] : memref<8x56xi32, #tpu.memory_space<vmem>> -> memref<1x56xi32, #tpu.memory_space<vmem>>
    %dma_wait3A_145 = tpu.memref_squeeze %dma_wait3A_144 : memref<1x56xi32, #tpu.memory_space<vmem>> -> memref<56xi32, #tpu.memory_space<vmem>>
    %dma_wait3A_146 = arith.constant 0 : i32
    %dma_wait3A_147 = arith.constant 0 : i32
    %dma_wait3A_148 = tpu.memref_slice %arg2[%dma_wait3A_146, %dma_wait3A_147] : memref<393216x196xf32, #tpu.memory_space<hbm>> -> memref<393216x196xf32, #tpu.memory_space<hbm>>
    tpu.wait_indirect_dma semaphore(%arg7 : memref<!tpu.dma_semaphore, #tpu.memory_space<semaphore_mem>>) src(%dma_wait3A_148 : memref<393216x196xf32, #tpu.memory_space<hbm>>) dst(%dma_wait3A_142 : memref<56x196xf32, #tpu.memory_space<vmem>>)
    %dma_wait3A_149 = arith.constant 7 : i32
    %dma_wait3A_150 = arith.constant 392 : i32
    %dma_wait3A_151 = arith.constant 0 : i32
    %dma_wait3A_152 = tpu.memref_slice %arg6[%dma_wait3A_150, %dma_wait3A_151] : memref<448x196xf32, #tpu.memory_space<vmem>> -> memref<56x196xf32, #tpu.memory_space<vmem>>
    %dma_wait3A_153 = arith.constant 0 : i32
    %dma_wait3A_154 = tpu.memref_slice %arg5[%dma_wait3A_149, %dma_wait3A_153] : memref<8x56xi32, #tpu.memory_space<vmem>> -> memref<1x56xi32, #tpu.memory_space<vmem>>
    %dma_wait3A_155 = tpu.memref_squeeze %dma_wait3A_154 : memref<1x56xi32, #tpu.memory_space<vmem>> -> memref<56xi32, #tpu.memory_space<vmem>>
    %dma_wait3A_156 = arith.constant 0 : i32
    %dma_wait3A_157 = arith.constant 0 : i32
    %dma_wait3A_158 = tpu.memref_slice %arg2[%dma_wait3A_156, %dma_wait3A_157] : memref<393216x196xf32, #tpu.memory_space<hbm>> -> memref<393216x196xf32, #tpu.memory_space<hbm>>
    tpu.wait_indirect_dma semaphore(%arg7 : memref<!tpu.dma_semaphore, #tpu.memory_space<semaphore_mem>>) src(%dma_wait3A_158 : memref<393216x196xf32, #tpu.memory_space<hbm>>) dst(%dma_wait3A_152 : memref<56x196xf32, #tpu.memory_space<vmem>>)
    "tpu.region"() ({
      %run_scoped3A = tpu.sem_alloc : memref<!tpu.dma_semaphore, #tpu.memory_space<semaphore_mem>>
      %dma_start3A_159 = arith.constant 0 : i32
      %dma_start3A_160 = arith.constant 0 : i32
      %dma_start3A_161 = tpu.memref_slice %arg4[%add3A, %dma_start3A_159, %dma_start3A_160] : memref<32x448x196xf32, #tpu.memory_space<hbm>> -> memref<1x448x196xf32, #tpu.memory_space<hbm>>
      %dma_start3A_162 = tpu.memref_squeeze %dma_start3A_161 : memref<1x448x196xf32, #tpu.memory_space<hbm>> -> memref<448x196xf32, #tpu.memory_space<hbm>>
      %dma_start3A_163 = arith.constant 0 : i32
      %dma_start3A_164 = arith.constant 0 : i32
      %dma_start3A_165 = tpu.memref_slice %arg4[%add3A, %dma_start3A_163, %dma_start3A_164] : memref<32x448x196xf32, #tpu.memory_space<hbm>> -> memref<1x448x196xf32, #tpu.memory_space<hbm>>
      %dma_start3A_166 = tpu.memref_squeeze %dma_start3A_165 : memref<1x448x196xf32, #tpu.memory_space<hbm>> -> memref<448x196xf32, #tpu.memory_space<hbm>>
      tpu.enqueue_dma source(%arg6 : memref<448x196xf32, #tpu.memory_space<vmem>>) target(%dma_start3A_166 : memref<448x196xf32, #tpu.memory_space<hbm>>) target_semaphore(%run_scoped3A : memref<!tpu.dma_semaphore, #tpu.memory_space<semaphore_mem>>)
      %dma_wait3A_167 = arith.constant 0 : i32
      %dma_wait3A_168 = arith.constant 0 : i32
      %dma_wait3A_169 = tpu.memref_slice %arg4[%add3A, %dma_wait3A_167, %dma_wait3A_168] : memref<32x448x196xf32, #tpu.memory_space<hbm>> -> memref<1x448x196xf32, #tpu.memory_space<hbm>>
      %dma_wait3A_170 = tpu.memref_squeeze %dma_wait3A_169 : memref<1x448x196xf32, #tpu.memory_space<hbm>> -> memref<448x196xf32, #tpu.memory_space<hbm>>
      %dma_wait3A_171 = arith.constant 0 : i32
      %dma_wait3A_172 = arith.constant 0 : i32
      %dma_wait3A_173 = tpu.memref_slice %arg4[%add3A, %dma_wait3A_171, %dma_wait3A_172] : memref<32x448x196xf32, #tpu.memory_space<hbm>> -> memref<1x448x196xf32, #tpu.memory_space<hbm>>
      %dma_wait3A_174 = tpu.memref_squeeze %dma_wait3A_173 : memref<1x448x196xf32, #tpu.memory_space<hbm>> -> memref<448x196xf32, #tpu.memory_space<hbm>>
      tpu.wait_dma2 semaphore(%run_scoped3A : memref<!tpu.dma_semaphore, #tpu.memory_space<semaphore_mem>>) src(%arg6 : memref<448x196xf32, #tpu.memory_space<vmem>>) dst(%dma_wait3A_174 : memref<448x196xf32, #tpu.memory_space<hbm>>)
      tpu.yield
    }) : () -> ()
    return
  }
}

module attributes {stable_mosaic.version = 14 : i64} {
  func.func @_wsel_body(%arg0: i32, %arg1: memref<1x512x1024xf32, #tpu.memory_space<vmem>>, %arg2: memref<1x1x1024xf32, #tpu.memory_space<vmem>>, %arg3: memref<1x1x512xi32, #tpu.memory_space<vmem>>, %arg4: memref<1x8x56xi32, #tpu.memory_space<vmem>>, %arg5: memref<1x56x1xf32, #tpu.memory_space<vmem>>) attributes {dimension_semantics = [#tpu.dimension_semantics<arbitrary>], iteration_bounds = array<i64: 32>, scalar_prefetch = 0 : i64, scratch_operands = 0 : i64, tpu.core_type = #tpu.core_type<tc>, window_params = [{transform_indices = @transform_0, window_bounds = array<i64: 1, 512, 1024>}, {transform_indices = @transform_1, window_bounds = array<i64: 1, 1, 1024>}, {transform_indices = @transform_2, window_bounds = array<i64: 1, 1, 512>}, {transform_indices = @transform_3, window_bounds = array<i64: 1, 8, 56>}, {transform_indices = @transform_4, window_bounds = array<i64: 1, 56, 1>}]} {
    %get3A = arith.constant 0 : index
    %get3A_0 = arith.constant 0 : index
    %get3A_1 = arith.constant 0 : index
    %get3A_2 = vector.load %arg1[%get3A, %get3A_0, %get3A_1] : memref<1x512x1024xf32, #tpu.memory_space<vmem>>, vector<1x512x1024xf32>
    %get3A_3 = vector.shape_cast %get3A_2 : vector<1x512x1024xf32> to vector<512x1024xf32>
    %get3A_4 = arith.constant 0 : index
    %get3A_5 = arith.constant 0 : index
    %get3A_6 = arith.constant 0 : index
    %get3A_7 = vector.load %arg2[%get3A_4, %get3A_5, %get3A_6] : memref<1x1x1024xf32, #tpu.memory_space<vmem>>, vector<1x1x1024xf32>
    %get3A_8 = vector.shape_cast %get3A_7 : vector<1x1x1024xf32> to vector<1x1024xf32>
    %get3A_9 = arith.constant 0 : index
    %get3A_10 = arith.constant 0 : index
    %get3A_11 = arith.constant 0 : index
    %get3A_12 = vector.load %arg3[%get3A_9, %get3A_10, %get3A_11] : memref<1x1x512xi32, #tpu.memory_space<vmem>>, vector<1x1x512xi32>
    %get3A_13 = vector.shape_cast %get3A_12 : vector<1x1x512xi32> to vector<1x512xi32>
    %dot_general3A = arith.constant dense<0.000000e+00> : vector<1x512xf32>
    %dot_general3A_14 = tpu.matmul %get3A_8, %get3A_3, %dot_general3A {dimension_numbers = #tpu.dot_dimension_numbers<[1], [1], [0], [0], [0, 0, 1, 0], [], []>, transpose_lhs_hint = false} : vector<1x1024xf32>, vector<512x1024xf32>, vector<1x512xf32> -> vector<1x512xf32>
    %broadcast_in_dim3A = arith.constant 1.000000e+00 : f32
    %broadcast_in_dim3A_15 = vector.broadcast %broadcast_in_dim3A : f32 to vector<1x1024xf32>
    %mul3A = arith.mulf %get3A_3, %get3A_3 : vector<512x1024xf32>
    %dot_general3A_16 = arith.constant dense<0.000000e+00> : vector<1x512xf32>
    %dot_general3A_17 = tpu.matmul %broadcast_in_dim3A_15, %mul3A, %dot_general3A_16 {dimension_numbers = #tpu.dot_dimension_numbers<[1], [1], [0], [0], [0, 0, 1, 0], [], []>, transpose_lhs_hint = false} : vector<1x1024xf32>, vector<512x1024xf32>, vector<1x512xf32> -> vector<1x512xf32>
    %mul3A_18 = arith.mulf %get3A_8, %get3A_8 : vector<1x1024xf32>
    %reduce_sum3A = vector.shape_cast %mul3A_18 : vector<1x1024xf32> to vector<1x1x1024xf32>
    %reduce_sum3A_19 = arith.constant dense<0.000000e+00> : vector<1xf32>
    %reduce_sum3A_20 = vector.multi_reduction <add>, %reduce_sum3A, %reduce_sum3A_19 [1, 2] : vector<1x1x1024xf32> to vector<1xf32>
    %reduce_sum3A_21 = vector.shape_cast %reduce_sum3A_20 : vector<1xf32> to vector<1x1x1xf32>
    %reduce_sum3A_22 = vector.extract %reduce_sum3A_21[0, 0, 0] : f32 from vector<1x1x1xf32>
    %sqrt3A = math.sqrt %reduce_sum3A_22 : f32
    %sqrt3A_23 = math.sqrt %dot_general3A_17 : vector<1x512xf32>
    %mul3A_24 = vector.broadcast %sqrt3A : f32 to vector<1x512xf32>
    %mul3A_25 = arith.mulf %sqrt3A_23, %mul3A_24 : vector<1x512xf32>
    %max3A = arith.constant 9.99999993E-9 : f32
    %max3A_26 = vector.broadcast %max3A : f32 to vector<1x512xf32>
    %max3A_27 = arith.maximumf %mul3A_25, %max3A_26 : vector<1x512xf32>
    %div3A = arith.divf %dot_general3A_14, %max3A_27 : vector<1x512xf32>
    %reshape3A = vector.shape_cast %div3A : vector<1x512xf32> to vector<512x1xf32>
    %iota3A = tpu.iota {dimensions = array<i32: 0>} : vector<512x512xi32>
    %iota3A_28 = tpu.iota {dimensions = array<i32: 1>} : vector<512x512xi32>
    %gt3A = vector.broadcast %reshape3A : vector<512x1xf32> to vector<512x512xf32>
    %gt3A_29 = vector.broadcast %div3A : vector<1x512xf32> to vector<512x512xf32>
    %gt3A_30 = arith.cmpf ogt, %gt3A, %gt3A_29 : vector<512x512xf32>
    %eq3A = vector.broadcast %reshape3A : vector<512x1xf32> to vector<512x512xf32>
    %eq3A_31 = vector.broadcast %div3A : vector<1x512xf32> to vector<512x512xf32>
    %eq3A_32 = arith.cmpf oeq, %eq3A, %eq3A_31 : vector<512x512xf32>
    %lt3A = arith.cmpi slt, %iota3A, %iota3A_28 : vector<512x512xi32>
    %and3A = arith.andi %eq3A_32, %lt3A : vector<512x512xi1>
    %or3A = arith.ori %gt3A_30, %and3A : vector<512x512xi1>
    %jit3A = arith.constant 1.000000e+00 : f32
    %jit3A_33 = arith.constant 0.000000e+00 : f32
    %broadcast_in_dim3A_34 = vector.broadcast %jit3A : f32 to vector<512x512xf32>
    %broadcast_in_dim3A_35 = vector.broadcast %jit3A_33 : f32 to vector<512x512xf32>
    %select_n3A = arith.select %or3A, %broadcast_in_dim3A_34, %broadcast_in_dim3A_35 : vector<512x512xi1>, vector<512x512xf32>
    %broadcast_in_dim3A_36 = arith.constant 1.000000e+00 : f32
    %broadcast_in_dim3A_37 = vector.broadcast %broadcast_in_dim3A_36 : f32 to vector<1x512xf32>
    %dot_general3A_38 = arith.constant dense<0.000000e+00> : vector<1x512xf32>
    %dot_general3A_39 = tpu.matmul %broadcast_in_dim3A_37, %select_n3A, %dot_general3A_38 {dimension_numbers = #tpu.dot_dimension_numbers<[1], [0], [0], [1], [0, 0, 1, 1], [], []>, transpose_lhs_hint = false} : vector<1x512xf32>, vector<512x512xf32>, vector<1x512xf32> -> vector<1x512xf32>
    %ne3A = arith.constant 0 : i32
    %ne3A_40 = vector.broadcast %ne3A : i32 to vector<1x512xi32>
    %ne3A_41 = arith.cmpi ne, %get3A_13, %ne3A_40 : vector<1x512xi32>
    %convert_element_type3A = arith.extui %ne3A_41 : vector<1x512xi1> to vector<1x512xi32>
    %convert_element_type3A_42 = arith.sitofp %convert_element_type3A : vector<1x512xi32> to vector<1x512xf32>
    %reduce_sum3A_43 = vector.shape_cast %convert_element_type3A_42 : vector<1x512xf32> to vector<1x1x512xf32>
    %reduce_sum3A_44 = arith.constant dense<0.000000e+00> : vector<1xf32>
    %reduce_sum3A_45 = vector.multi_reduction <add>, %reduce_sum3A_43, %reduce_sum3A_44 [1, 2] : vector<1x1x512xf32> to vector<1xf32>
    %reduce_sum3A_46 = vector.shape_cast %reduce_sum3A_45 : vector<1xf32> to vector<1x1x1xf32>
    %reduce_sum3A_47 = vector.extract %reduce_sum3A_46[0, 0, 0] : f32 from vector<1x1x1xf32>
    %mul3A_48 = arith.constant 1.000000e-01 : f32
    %mul3A_49 = arith.mulf %reduce_sum3A_47, %mul3A_48 : f32
    %ceil3A = math.ceil %mul3A_49 : f32
    %min3A = arith.constant 5.100000e+01 : f32
    %min3A_50 = arith.minimumf %ceil3A, %min3A : f32
    %iota3A_51 = tpu.iota {dimensions = array<i32: 0>} : vector<56x1xi32>
    %convert_element_type3A_52 = arith.sitofp %iota3A_51 : vector<56x1xi32> to vector<56x1xf32>
    %eq3A_53 = vector.broadcast %dot_general3A_39 : vector<1x512xf32> to vector<56x512xf32>
    %eq3A_54 = vector.broadcast %convert_element_type3A_52 : vector<56x1xf32> to vector<56x512xf32>
    %eq3A_55 = arith.cmpf oeq, %eq3A_53, %eq3A_54 : vector<56x512xf32>
    %jit3A_56 = arith.constant 1.000000e+00 : f32
    %jit3A_57 = arith.constant 0.000000e+00 : f32
    %broadcast_in_dim3A_58 = vector.broadcast %jit3A_56 : f32 to vector<56x512xf32>
    %broadcast_in_dim3A_59 = vector.broadcast %jit3A_57 : f32 to vector<56x512xf32>
    %select_n3A_60 = arith.select %eq3A_55, %broadcast_in_dim3A_58, %broadcast_in_dim3A_59 : vector<56x512xi1>, vector<56x512xf32>
    %iota3A_61 = tpu.iota {dimensions = array<i32: 0>} : vector<512x1xi32>
    %convert_element_type3A_62 = arith.sitofp %iota3A_61 : vector<512x1xi32> to vector<512x1xf32>
    %concatenate3A = tpu.concatenate %convert_element_type3A_62, %reshape3A in 1 : vector<512x1xf32>, vector<512x1xf32> -> vector<512x2xf32>
    %dot_general3A_63 = arith.constant dense<0.000000e+00> : vector<56x2xf32>
    %dot_general3A_64 = tpu.matmul %select_n3A_60, %concatenate3A, %dot_general3A_63 {dimension_numbers = #tpu.dot_dimension_numbers<[1], [0], [0], [1], [0, 0, 1, 1], [], []>, transpose_lhs_hint = false} : vector<56x512xf32>, vector<512x2xf32>, vector<56x2xf32> -> vector<56x2xf32>
    %lt3A_65 = vector.broadcast %min3A_50 : f32 to vector<56x1xf32>
    %lt3A_66 = arith.cmpf olt, %convert_element_type3A_52, %lt3A_65 : vector<56x1xf32>
    %slice3A = vector.extract_strided_slice %dot_general3A_64 {offsets = [0, 1], sizes = [56, 1], strides = [1, 1]} : vector<56x2xf32> to vector<56x1xf32>
    %jit3A_67 = arith.constant 0.000000e+00 : f32
    %broadcast_in_dim3A_68 = vector.broadcast %jit3A_67 : f32 to vector<56x1xf32>
    %select_n3A_69 = arith.select %lt3A_66, %slice3A, %broadcast_in_dim3A_68 : vector<56x1xi1>, vector<56x1xf32>
    %swap3A = arith.constant 0 : index
    %swap3A_70 = arith.constant 0 : index
    %swap3A_71 = arith.constant 0 : index
    %swap3A_72 = vector.load %arg5[%swap3A, %swap3A_70, %swap3A_71] : memref<1x56x1xf32, #tpu.memory_space<vmem>>, vector<1x56x1xf32>
    %swap3A_73 = vector.shape_cast %swap3A_72 : vector<1x56x1xf32> to vector<56x1xf32>
    %swap3A_74 = vector.shape_cast %select_n3A_69 : vector<56x1xf32> to vector<1x56x1xf32>
    tpu.vector_store %arg5[%swap3A, %swap3A_70, %swap3A_71], %swap3A_74 {strides = array<i32>} : memref<1x56x1xf32, #tpu.memory_space<vmem>>, vector<1x56x1xf32>,
    %slice3A_75 = vector.extract_strided_slice %dot_general3A_64 {offsets = [0, 0], sizes = [56, 1], strides = [1, 1]} : vector<56x2xf32> to vector<56x1xf32>
    %reshape3A_76 = vector.shape_cast %slice3A_75 : vector<56x1xf32> to vector<1x56xf32>
    %iota3A_77 = tpu.iota {dimensions = array<i32: 0>} : vector<8x1xi32>
    %add3A = arith.constant 64 : i32
    %add3A_78 = arith.addi %add3A, %arg0 : i32
    %mul3A_79 = arith.constant 4096 : i32
    %mul3A_80 = arith.muli %add3A_78, %mul3A_79 : i32
    %mul3A_81 = arith.constant 512 : i32
    %mul3A_82 = vector.broadcast %mul3A_81 : i32 to vector<8x1xi32>
    %mul3A_83 = arith.muli %iota3A_77, %mul3A_82 : vector<8x1xi32>
    %add3A_84 = vector.broadcast %mul3A_80 : i32 to vector<8x1xi32>
    %add3A_85 = arith.addi %add3A_84, %mul3A_83 : vector<8x1xi32>
    %convert_element_type3A_86 = arith.fptosi %reshape3A_76 : vector<1x56xf32> to vector<1x56xi32>
    %add3A_87 = vector.broadcast %add3A_85 : vector<8x1xi32> to vector<8x56xi32>
    %add3A_88 = vector.broadcast %convert_element_type3A_86 : vector<1x56xi32> to vector<8x56xi32>
    %add3A_89 = arith.addi %add3A_87, %add3A_88 : vector<8x56xi32>
    %swap3A_90 = arith.constant 0 : index
    %swap3A_91 = arith.constant 0 : index
    %swap3A_92 = arith.constant 0 : index
    %swap3A_93 = vector.load %arg4[%swap3A_90, %swap3A_91, %swap3A_92] : memref<1x8x56xi32, #tpu.memory_space<vmem>>, vector<1x8x56xi32>
    %swap3A_94 = vector.shape_cast %swap3A_93 : vector<1x8x56xi32> to vector<8x56xi32>
    %swap3A_95 = vector.shape_cast %add3A_89 : vector<8x56xi32> to vector<1x8x56xi32>
    tpu.vector_store %arg4[%swap3A_90, %swap3A_91, %swap3A_92], %swap3A_95 {strides = array<i32>} : memref<1x8x56xi32, #tpu.memory_space<vmem>>, vector<1x8x56xi32>,
    return
  }
  func.func @transform_0(%arg0: i32) -> (i32, i32, i32) {
    %c0_i32 = arith.constant 0 : i32
    %c0_i32_0 = arith.constant 0 : i32
    %c0_i32_1 = arith.constant 0 : i32
    return %arg0, %c0_i32, %c0_i32_0 : i32, i32, i32
  }
  func.func @transform_1(%arg0: i32) -> (i32, i32, i32) {
    %c0_i32 = arith.constant 0 : i32
    %c0_i32_0 = arith.constant 0 : i32
    %c0_i32_1 = arith.constant 0 : i32
    return %arg0, %c0_i32, %c0_i32_0 : i32, i32, i32
  }
  func.func @transform_2(%arg0: i32) -> (i32, i32, i32) {
    %c0_i32 = arith.constant 0 : i32
    %c0_i32_0 = arith.constant 0 : i32
    %c0_i32_1 = arith.constant 0 : i32
    return %arg0, %c0_i32, %c0_i32_0 : i32, i32, i32
  }
  func.func @transform_3(%arg0: i32) -> (i32, i32, i32) {
    %c0_i32 = arith.constant 0 : i32
    %c0_i32_0 = arith.constant 0 : i32
    %c0_i32_1 = arith.constant 0 : i32
    return %arg0, %c0_i32, %c0_i32_0 : i32, i32, i32
  }
  func.func @transform_4(%arg0: i32) -> (i32, i32, i32) {
    %c0_i32 = arith.constant 0 : i32
    %c0_i32_0 = arith.constant 0 : i32
    %c0_i32_1 = arith.constant 0 : i32
    return %arg0, %c0_i32, %c0_i32_0 : i32, i32, i32
  }
}

module attributes {stable_mosaic.version = 14 : i64} {
  func.func @_reduce_body(%arg0: i32, %arg1: memref<1x448x196xf32, #tpu.memory_space<vmem>>, %arg2: memref<1x56x1xf32, #tpu.memory_space<vmem>>, %arg3: memref<1x1x196xf32, #tpu.memory_space<vmem>>) attributes {dimension_semantics = [#tpu.dimension_semantics<arbitrary>], iteration_bounds = array<i64: 32>, scalar_prefetch = 0 : i64, scratch_operands = 0 : i64, tpu.core_type = #tpu.core_type<tc>, window_params = [{transform_indices = @transform_0, window_bounds = array<i64: 1, 448, 196>}, {transform_indices = @transform_1, window_bounds = array<i64: 1, 56, 1>}, {transform_indices = @transform_2, window_bounds = array<i64: 1, 1, 196>}]} {
    %get3A = arith.constant 0 : index
    %get3A_0 = arith.constant 0 : index
    %get3A_1 = arith.constant 0 : index
    %get3A_2 = vector.load %arg1[%get3A, %get3A_0, %get3A_1] : memref<1x448x196xf32, #tpu.memory_space<vmem>>, vector<1x448x196xf32>
    %get3A_3 = vector.shape_cast %get3A_2 : vector<1x448x196xf32> to vector<448x196xf32>
    %slice3A = vector.extract_strided_slice %get3A_3 {offsets = [0, 0], sizes = [56, 196], strides = [1, 1]} : vector<448x196xf32> to vector<56x196xf32>
    %slice3A_4 = vector.extract_strided_slice %get3A_3 {offsets = [56, 0], sizes = [56, 196], strides = [1, 1]} : vector<448x196xf32> to vector<56x196xf32>
    %add3A = arith.addf %slice3A, %slice3A_4 : vector<56x196xf32>
    %slice3A_5 = vector.extract_strided_slice %get3A_3 {offsets = [112, 0], sizes = [56, 196], strides = [1, 1]} : vector<448x196xf32> to vector<56x196xf32>
    %add3A_6 = arith.addf %add3A, %slice3A_5 : vector<56x196xf32>
    %slice3A_7 = vector.extract_strided_slice %get3A_3 {offsets = [168, 0], sizes = [56, 196], strides = [1, 1]} : vector<448x196xf32> to vector<56x196xf32>
    %add3A_8 = arith.addf %add3A_6, %slice3A_7 : vector<56x196xf32>
    %slice3A_9 = vector.extract_strided_slice %get3A_3 {offsets = [224, 0], sizes = [56, 196], strides = [1, 1]} : vector<448x196xf32> to vector<56x196xf32>
    %add3A_10 = arith.addf %add3A_8, %slice3A_9 : vector<56x196xf32>
    %slice3A_11 = vector.extract_strided_slice %get3A_3 {offsets = [280, 0], sizes = [56, 196], strides = [1, 1]} : vector<448x196xf32> to vector<56x196xf32>
    %add3A_12 = arith.addf %add3A_10, %slice3A_11 : vector<56x196xf32>
    %slice3A_13 = vector.extract_strided_slice %get3A_3 {offsets = [336, 0], sizes = [56, 196], strides = [1, 1]} : vector<448x196xf32> to vector<56x196xf32>
    %add3A_14 = arith.addf %add3A_12, %slice3A_13 : vector<56x196xf32>
    %slice3A_15 = vector.extract_strided_slice %get3A_3 {offsets = [392, 0], sizes = [56, 196], strides = [1, 1]} : vector<448x196xf32> to vector<56x196xf32>
    %add3A_16 = arith.addf %add3A_14, %slice3A_15 : vector<56x196xf32>
    %get3A_17 = arith.constant 0 : index
    %get3A_18 = arith.constant 0 : index
    %get3A_19 = arith.constant 0 : index
    %get3A_20 = vector.load %arg2[%get3A_17, %get3A_18, %get3A_19] : memref<1x56x1xf32, #tpu.memory_space<vmem>>, vector<1x56x1xf32>
    %get3A_21 = vector.shape_cast %get3A_20 : vector<1x56x1xf32> to vector<56x1xf32>
    %mul3A = arith.constant 1.250000e-01 : f32
    %mul3A_22 = vector.broadcast %mul3A : f32 to vector<56x196xf32>
    %mul3A_23 = arith.mulf %add3A_16, %mul3A_22 : vector<56x196xf32>
    %mul3A_24 = vector.broadcast %get3A_21 : vector<56x1xf32> to vector<56x196xf32>
    %mul3A_25 = arith.mulf %mul3A_24, %mul3A_23 : vector<56x196xf32>
    %max3A = arith.constant 0.000000e+00 : f32
    %max3A_26 = vector.broadcast %max3A : f32 to vector<56x196xf32>
    %max3A_27 = arith.maximumf %mul3A_25, %max3A_26 : vector<56x196xf32>
    %reduce_max3A = arith.constant dense<0xFF800000> : vector<196xf32>
    %reduce_max3A_28 = vector.multi_reduction <maximumf>, %max3A_27, %reduce_max3A [0] : vector<56x196xf32> to vector<196xf32>
    %broadcast_in_dim3A = vector.shape_cast %reduce_max3A_28 : vector<196xf32> to vector<1x196xf32>
    %reduce_min3A = vector.shape_cast %broadcast_in_dim3A : vector<1x196xf32> to vector<1x1x196xf32>
    %reduce_min3A_29 = arith.constant dense<0x7F800000> : vector<1xf32>
    %reduce_min3A_30 = vector.multi_reduction <minimumf>, %reduce_min3A, %reduce_min3A_29 [1, 2] : vector<1x1x196xf32> to vector<1xf32>
    %reduce_min3A_31 = vector.shape_cast %reduce_min3A_30 : vector<1xf32> to vector<1x1x1xf32>
    %reduce_min3A_32 = vector.extract %reduce_min3A_31[0, 0, 0] : f32 from vector<1x1x1xf32>
    %sub3A = vector.broadcast %reduce_min3A_32 : f32 to vector<1x196xf32>
    %sub3A_33 = arith.subf %broadcast_in_dim3A, %sub3A : vector<1x196xf32>
    %reduce_max3A_34 = vector.shape_cast %sub3A_33 : vector<1x196xf32> to vector<1x1x196xf32>
    %reduce_max3A_35 = arith.constant dense<0xFF800000> : vector<1xf32>
    %reduce_max3A_36 = vector.multi_reduction <maximumf>, %reduce_max3A_34, %reduce_max3A_35 [1, 2] : vector<1x1x196xf32> to vector<1xf32>
    %reduce_max3A_37 = vector.shape_cast %reduce_max3A_36 : vector<1xf32> to vector<1x1x1xf32>
    %reduce_max3A_38 = vector.extract %reduce_max3A_37[0, 0, 0] : f32 from vector<1x1x1xf32>
    %jit3A = arith.constant 9.99999996E-13 : f32
    %jit3A_39 = arith.constant 1.000000e+00 : f32
    %max3A_40 = arith.maximumf %jit3A, %reduce_max3A_38 : f32
    %min3A = arith.minimumf %jit3A_39, %max3A_40 : f32
    %squeeze3A = vector.shape_cast %sub3A_33 : vector<1x196xf32> to vector<196xf32>
    %div3A = vector.broadcast %min3A : f32 to vector<196xf32>
    %div3A_41 = arith.divf %squeeze3A, %div3A : vector<196xf32>
    %swap3A = arith.constant 0 : index
    %swap3A_42 = arith.constant 0 : index
    %swap3A_43 = arith.constant 0 : index
    %swap3A_44 = vector.load %arg3[%swap3A, %swap3A_42, %swap3A_43] : memref<1x1x196xf32, #tpu.memory_space<vmem>>, vector<1x1x196xf32>
    %swap3A_45 = vector.shape_cast %swap3A_44 : vector<1x1x196xf32> to vector<196xf32>
    %swap3A_46 = vector.shape_cast %div3A_41 : vector<196xf32> to vector<1x1x196xf32>
    tpu.vector_store %arg3[%swap3A, %swap3A_42, %swap3A_43], %swap3A_46 {strides = array<i32>} : memref<1x1x196xf32, #tpu.memory_space<vmem>>, vector<1x1x196xf32>,
    return
  }
  func.func @transform_0(%arg0: i32) -> (i32, i32, i32) {
    %c0_i32 = arith.constant 0 : i32
    %c0_i32_0 = arith.constant 0 : i32
    %c0_i32_1 = arith.constant 0 : i32
    return %arg0, %c0_i32, %c0_i32_0 : i32, i32, i32
  }
  func.func @transform_1(%arg0: i32) -> (i32, i32, i32) {
    %c0_i32 = arith.constant 0 : i32
    %c0_i32_0 = arith.constant 0 : i32
    %c0_i32_1 = arith.constant 0 : i32
    return %arg0, %c0_i32, %c0_i32_0 : i32, i32, i32
  }
  func.func @transform_2(%arg0: i32) -> (i32, i32, i32) {
    %c0_i32 = arith.constant 0 : i32
    %c0_i32_0 = arith.constant 0 : i32
    %c0_i32_1 = arith.constant 0 : i32
    return %arg0, %c0_i32, %c0_i32_0 : i32, i32, i32
  }
}

</mosaic_0001>

<sc_bundles>
// kernel: kernel.5.cloned.1.call-start
scs
__scs_entry_jumppad:
0x0: {  	(pc) =	sbr.rel $0x88, $3  }
0x1: {  	(tag) =	ssettag $0x0;
	lr =	simm.s32 $0x1  }
0x2: {  	[smem:$0x3F9C] =	sst lr;
	_ =	strace $0xD0000000  }
0x3: {  	_ = 	snop  }
0x4: {  	_ = 	snop  }
0x5: {  	_ = 	snop  }
0x6: {  	_ = 	snop  }
0x7: {  	_ = 	snop  }
__scs_overlays_trampoline_lowered:
0x8: {  	[smem:$0x3FAB] =	sst s0  }
0x9: {  	[smem:$0x3FAC] =	sst s1  }
0xa: {  	[smem:$0x3FAD] =	sst s2  }
0xb: {  	[smem:$0x3FAE] =	sst s3  }
0xc: {  	[smem:$0x3FAF] =	sst s4  }
0xd: {  	[smem:$0x3FB0] =	sst s5  }
0xe: {  	[smem:$0x3FB1] =	sst s6  }
0xf: {  	[smem:$0x3FB2] =	sst s7  }
0x10: {  	[smem:$0x3FB3] =	sst s8  }
0x11: {  	[smem:$0x3FB4] =	sst s9;
	s0 =	simm.s32 @!p0 $0x0  }
0x12: {  	s1 =	sld [smem:$0x3F9A];
	s0 =	simm.s32 @p0 $0x1  }
0x13: {  	[smem:$0x3FB5] =	sst s0;
	s0 =	simm.s32 @!p1 $0x0  }
0x14: {  	s2 =	sld [smem:$0x3F99];
	s0 =	simm.s32 @p1 $0x1  }
0x15: {  	[smem:$0x3FB6] =	sst s0;
	s0 =	simm.s32 @!p2 $0x0  }
0x16: {  	s3 =	sld [smem:$0x3FDB];
	s0 =	simm.s32 @p2 $0x1  }
0x17: {  	s4 =	simm.s32 $0x1BF5;
	[smem:$0x3FB8] =	sst s0  }
0x18: {  	s0 =	sld [smem:$0x3F9B];
	_ =	swait.ge [sflag:s4], $0x0  }
0x19: {  	s7 =	sld [smem:$0x3F9C]  }
0x1a: {  	s8 =	sadd.s32 $0xFFFFE003, lr  }
0x1b: {  	s9 =	sadd.s32 $0xFFFFFEF7, lr;
	s5 =	simm.s32 $0xFFFFFFFF;
	p2 =	slt.u32 s8, $0xFFFFF086  }
0x1c: {  	p1 =	slt.u32 s9, $0xF7A;
	s5 =	simm.s32 @!p2 $0x0  }
0x1d: {  	s5 =	simm.s32 @p1 $0x1;
	p0 =	seq.s32 s7, s2  }
0x1e: {  	s7 =	smul.u32 @!p0 $0xF7A, s2;
	p2 =	seq.s32 @!p0 s5, $0x0  }
0x1f: {  	s9 =	smul.u32 $0xF7A, s1;
	s8 =	simm.s32 @!p0 $0x1BF5;
	p2 =	por !p2, p0  }
0x20: {  	[sflag:s8] =	ssyncset.s32 @!p0 $0xFFFFF086;
	s6 =	sadd.s32 @!p0 s3, s7;
	s7 =	simm.s32 @!p0 $0x108  }
0x21: {  	s3 =	sadd.s32 s3, s9;
	s6 =	sadd.s32 @!p0 $0x88, s6;
	s7 =	simm.s32 @p2 $0x1082  }
0x22: {  	[simem:s7], [sflag:s8] =	dma.local @!p0 [hbm:s6], $0xF7A  }
0x23: {  	s9 =	sor.u32 $0xD0000000, s2;
	s6 =	simm.s32 $0x108;
	_ =	swait.ge @!p0 [sflag:s8], $0x0  }
0x24: {  	s3 =	sadd.s32 $0x88, s3;
	s6 =	simm.s32 @!p1 $0x1082;
	[sflag:s4] =	ssyncset.s32 $0xFFFFF086  }
0x25: {  	[simem:s6], [sflag:s4] =	dma.local [hbm:s3], $0xF7A  }
0x26: {  	[smem:$0x3F9C] =	sst s1;
	(tag) =	ssettag s2;
	_ =	strace s9  }
0x27: {  	s1 =	sld [smem:$0x3FAC]  }
0x28: {  	s2 =	sld [smem:$0x3FAD]  }
0x29: {  	s4 =	sld [smem:$0x3FAF]  }
0x2a: {  	p0 =	seq.s32 s5, $0x0;
	s5 =	sld [smem:$0x3FB0]  }
0x2b: {  	s6 =	sld [smem:$0x3FB1]  }
0x2c: {  	s7 =	sld [smem:$0x3FB2]  }
0x2d: {  	s3 =	simm.s32 $0x108;
	s8 =	sld [smem:$0x3FB3]  }
0x2e: {  	s3 =	simm.s32 @!p0 $0x1082;
	s9 =	sld [smem:$0x3FB4]  }
0x2f: {  	lr =	sadd.s32 s0, s3;
	s0 =	sld [smem:$0x3FAB]  }
0x30: {  	s3 =	sld [smem:$0x3FAE]  }
0x31: {  	[smem:$0x3FB7] =	sst s10  }
0x32: {  	s10 =	sld [smem:$0x3FB5];
	_ =	sdelay $0x3  }
0x33: {  	p0 =	seq.s32 s10, $0x1;
	s10 =	sld [smem:$0x3FB7];
	_ =	sdelay $0x3  }
0x34: {  	[smem:$0x3FB7] =	sst s10  }
0x35: {  	s10 =	sld [smem:$0x3FB6];
	_ =	sdelay $0x3  }
0x36: {  	p1 =	seq.s32 s10, $0x1;
	s10 =	sld [smem:$0x3FB7];
	_ =	sdelay $0x3  }
0x37: {  	[smem:$0x3FB7] =	sst s10  }
0x38: {  	s10 =	sld [smem:$0x3FB8]  }
0x39: {  	_ = 	snop;
	(pc) =	sbr.ind lr, $3  }
0x3a: {  	_ = 	snop  }
0x3b: {  	_ = 	snop  }
0x3c: {  	p2 =	seq.s32 s10, $0x1;
	s10 =	sld [smem:$0x3FB7]  }
0x3d: {  	_ =	shalt  }
0x3e: {  	_ =	shalt  }
0x3f: {  	_ =	shalt  }
0x40: {  	_ =	shalt  }
0x41: {  	_ =	shalt  }
0x42: {  	_ =	shalt  }
0x43: {  	_ =	shalt  }
0x44: {  	_ =	shalt  }
0x45: {  	_ =	shalt  }
0x46: {  	_ =	shalt  }
0x47: {  	_ =	shalt  }
0x48: {  	_ =	shalt  }
0x49: {  	_ =	shalt  }
0x4a: {  	_ =	shalt  }
0x4b: {  	_ =	shalt  }
0x4c: {  	_ =	shalt  }
0x4d: {  	_ =	shalt  }
0x4e: {  	_ =	shalt  }
0x4f: {  	_ =	shalt  }
0x50: {  	_ =	shalt  }
0x51: {  	_ =	shalt  }
0x52: {  	_ =	shalt  }
0x53: {  	_ =	shalt  }
0x54: {  	_ =	shalt  }
0x55: {  	_ =	shalt  }
0x56: {  	_ =	shalt  }
0x57: {  	_ =	shalt  }
0x58: {  	_ =	shalt  }
0x59: {  	_ =	shalt  }
0x5a: {  	_ =	shalt  }
0x5b: {  	_ =	shalt  }
0x5c: {  	_ =	shalt  }
0x5d: {  	_ =	shalt  }
0x5e: {  	_ =	shalt  }
0x5f: {  	_ =	shalt  }
0x60: {  	_ =	shalt  }
0x61: {  	_ =	shalt  }
0x62: {  	_ =	shalt  }
0x63: {  	_ =	shalt  }
0x64: {  	_ =	shalt  }
0x65: {  	_ =	shalt  }
0x66: {  	_ =	shalt  }
0x67: {  	_ =	shalt  }
0x68: {  	_ =	shalt  }
0x69: {  	_ =	shalt  }
0x6a: {  	_ =	shalt  }
0x6b: {  	_ =	shalt  }
0x6c: {  	_ =	shalt  }
0x6d: {  	_ =	shalt  }
0x6e: {  	_ =	shalt  }
0x6f: {  	_ =	shalt  }
0x70: {  	_ =	shalt  }
0x71: {  	_ =	shalt  }
0x72: {  	_ =	shalt  }
0x73: {  	_ =	shalt  }
0x74: {  	_ =	shalt  }
0x75: {  	_ =	shalt  }
0x76: {  	_ =	shalt  }
0x77: {  	_ =	shalt  }
0x78: {  	_ =	shalt  }
0x79: {  	_ =	shalt  }
0x7a: {  	_ =	shalt  }
0x7b: {  	_ =	shalt  }
0x7c: {  	_ =	shalt  }
0x7d: {  	_ =	shalt  }
0x7e: {  	_ =	shalt  }
0x7f: {  	_ =	shalt  }
0x80: {  	_ =	shalt  }
0x81: {  	_ =	shalt  }
0x82: {  	_ =	shalt  }
0x83: {  	_ =	shalt  }
0x84: {  	_ =	shalt  }
0x85: {  	_ =	shalt  }
0x86: {  	_ =	shalt  }
0x87: {  	_ =	shalt  }
.Lfunc_end0:
.L_simem_size_0:
called_computation_lowered:
.L_overlay_start_0:
0x88: {  	s2 =	sld [smem:$0x3FD9]  }
0x89: {  	s3 =	sld [smem:$0x3FFE];
	_ =	sdelay $0x1  }
0x8a: {  	s1 =	srdreg.scid  }
0x8b: {  	s0 =	sand.u32 $0x1, s1  }
0x8c: {  	s16 =	sshll.u32 s0, $0xA;
	s2 =	sadd.s32 s3, s2  }
0x8d: {  	s2 =	sadd.s32 s2, s16  }
0x8e: {  	[smem:$0x3FC3] =	sst s2  }
0x8f: {  	_ = 	snop  }
0x90: {  	(tm) =	ssettm $0x1  }
0x91: {  	s17 =	sld [smem:$0x3FFB];
	_ =	sdelay $0x3  }
0x92: {  	_ =	strace s17  }
0x93: {  	s2 =	sld [smem:$0x3FFC];
	_ =	sdelay $0x3  }
0x94: {  	_ =	strace s2  }
0x95: {  	s2 =	sld [smem:$0x3FFD];
	_ =	sdelay $0x3  }
0x96: {  	_ =	strace s2  }
0x97: {  	_ =	strace $0x8FFFFFFF  }
0x98: {  	s18 =	sld [smem:$0x3FDB];
	_ =	sdelay $0x1  }
0x99: {  	s19 =	simm.s32 $_scs_section_size  }
0x9a: {  	s4 =	simm.s32 $_size__tile_overlayer_lowered;
	s5 =	simm.s32 $_tile_overlayer_lowered  }
0x9b: {  	s22 =	simm.s32 $0x1BFF;
	s21 =	sshll.u32 s5, $0x1;
	s2 =	sadd.s32 s19, s18  }
0x9c: {  	s6 =	simm.s32 $0x0;
	s20 =	sshll.u32 s4, $0x1;
	s4 =	sadd.s32 s21, s2  }
0x9d: {  	[timem:s6], [sflag:s22] =	dma.local [hbm:s4], s20  }
0x9e: {  	_ =	swait.ge [sflag:s22], s20  }
0x9f: {  	s3 =	ssub.s32 $0x0, s20;
	[sflag:s22] =	ssyncset.done $0x0  }
0xa0: {  	[sflag:s22] =	ssyncadd.s32 s3;
	_ =	sdelay $0x1  }
0xa1: {  	s23 =	simm.s32 $0x1B8B  }
0xa2: {  	_ =	swait.ge [sflag:s23], $0x1  }
0xa3: {  	[sflag:s23] =	ssyncset.done $0x0  }
0xa4: {  	s25 =	simm.s32 $0x1B8E;
	s24 =	sld [smem:$0x3FFE];
	[sflag:s23] =	ssyncadd.s32 $0xFFFFFFFF  }
0xa5: {  	s26 =	simm.s32 $execute0_lowered;
	[smem:$0x3FD2] =	sst s25  }
0xa6: {  	s4 =	sshll.u32 s26, $0x1;
	_ =	strace $0x80000046;
	[dreg:$0x1] =	wrdreg $0xFFFFFFFF  }
0xa7: {  	s28 =	simm.s32 $_size_execute0_lowered;
	s2 =	sadd.s32 s2, s4;
	[dreg:$0x0] =	wrdreg $0x0  }
0xa8: {  	s4 =	sshll.u32 s28, $0x1;
	[dreg:$0x2] =	wrdreg s2  }
0xa9: {  	[dreg:$0x3] =	wrdreg s4  }
0xaa: {  	[dreg:$0x4] =	wrdreg $0xC0  }
0xab: {  	_ =	task [dreg:s6], $0x5FFFF  }
0xac: {  	[dreg:$0x1] =	wrdreg $0xFFFFFFFF  }
0xad: {  	[dreg:$0x0] =	wrdreg $0x60  }
0xae: {  	[dreg:$0x2] =	wrdreg s24  }
0xaf: {  	[dreg:$0x3] =	wrdreg $0x9  }
0xb0: {  	_ =	task.clear_ibuf [dreg:s6], $0x4FFFF;
	_ =	strace $0x90000046  }
0xb1: {  	s29 =	simm.s32 $0x9;
	_ =	strace $0x80000048  }
0xb2: {  	_ =	swait.ge [sflag:s29], $0x1  }
0xb3: {  	[sflag:s29] =	ssyncadd.s32 $0xFFFFFFFF  }
0xb4: {  	_ =	strace $0x90000048  }
0xb5: {  	_ =	sfence  }
0xb6: {  	s30 =	sld [smem:$0x0];
	_ =	sdelay $0x2  }
0xb7: {  	s31 =	sshll.u32 s1, $0xD;
	s1 =	sshrl.u32 s1, $0x2  }
0xb8: {  	s3 =	sand.u32 $0x4000, s31;
	s1 =	sadd.s32 s1, s30  }
0xb9: {  	s0 =	sor.u32 s3, s0;
	s1 =	sshll.u32 s1, $0x11  }
0xba: {  	s0 =	sor.u32 s1, s0  }
0xbb: {  	s0 =	sadd.s32 $0x8F2B, s0  }
0xbc: {  	[sflag:s0] =	ssyncadd.remote.s32 $0x1  }
0xbd: {  	_ =	sfence.sel $0xFFFF  }
0xbe: {  	[dreg:$0x0] =	wrdreg $0xFFFFFFFF;
	(pc) =	sbr.abs _section_cstart, $3  }
0xbf: {  	[dreg:$0x1] =	wrdreg $0xFFFFFFFF  }
0xc0: {  	_ =	task.clear_ibuf [dreg:s6], $0x2FFFF;
	_ =	strace $0x9FFFFFFF  }
0xc1: {  	(tm) =	ssettm $0x7FFFFFFF  }
tec
execute0_lowered:
.L_overlay_start_1:
0x0: {  	(tag) =	ssettag $0x1  }
0x1: {  	s0 =	srdreg.scid  }
0x2: {  	s23 =	sand.u32 $0x1, s0  }
0x3: {  	s0 =	stileid.u32;
	s1 =	sshll.u32 s23, $0x4  }
0x4: {  	s24 =	sor.u32 s0, s1  }
0x5: {  	s22 =	rddreg [dreg:$0x0];
	s2 =	simm.s32 $0x0;
	s3 =	smul.u32 $0x38, s24  }
0x6: {  	[smem:$0x7FF] =	sst s2  }
0x7: {  	s1 =	rddreg [dreg:$0x1];
	s3 =	sadd.s32 s3, s22  }
0x8: {  	_ =	strace $0x80000047;
	s4 =	sadd.s32 $0x968200, s3;
	s3 =	simm.s32 $0x2  }
0x9: {  	[tilespmem:s2], [sflag:$0x2] =	stream.linear.gather [hbm4b:s4+s2], $0x1C0, $0x38;
	[tilespmem:$0x15FC0] =	vst v63  }
0xa: {  	_ =	swait.ge [sflag:s3], $0x1C0  }
0xb: {  	s6 =	simm.s32 $0x38;
	[sflag:s3] =	ssyncset.done $0x0  }
0xc: {  	s7 =	simm.s32 $0x1C0;
	s5 =	sadd.s32 $0x1200, s22;
	[sflag:s3] =	ssyncadd.s32 $0xFFFFFE40  }
0xd: {  	[tilespmem:s7], [sflag:$0x1] =	stream.indirect.gather [hbm4b:s5+s6], $0xC4, s2, s6, $0xb8;
	[tilespmem:$0x15FC0] =	vst v63  }
0xe: {  	s8 =	simm.s32 $0x2D80  }
0xf: {  	[tilespmem:s8], [sflag:$0x1] =	stream.indirect.gather [hbm4b:s5+s6], $0xC4, s6, s6, $0xb8;
	[tilespmem:$0x15FC0] =	vst v63  }
0x10: {  	s9 =	simm.s32 $0x70;
	s10 =	simm.s32 $0x5940  }
0x11: {  	[tilespmem:s10], [sflag:$0x1] =	stream.indirect.gather [hbm4b:s5+s6], $0xC4, s9, s6, $0xb8;
	[tilespmem:$0x15FC0] =	vst v63  }
0x12: {  	s11 =	simm.s32 $0xA8;
	s12 =	simm.s32 $0x8500  }
0x13: {  	[tilespmem:s12], [sflag:$0x1] =	stream.indirect.gather [hbm4b:s5+s6], $0xC4, s11, s6, $0xb8;
	[tilespmem:$0x15FC0] =	vst v63  }
0x14: {  	s13 =	simm.s32 $0xE0;
	s14 =	simm.s32 $0xB0C0  }
0x15: {  	[tilespmem:s14], [sflag:$0x1] =	stream.indirect.gather [hbm4b:s5+s6], $0xC4, s13, s6, $0xb8;
	[tilespmem:$0x15FC0] =	vst v63  }
0x16: {  	s15 =	simm.s32 $0x118;
	s16 =	simm.s32 $0xDC80  }
0x17: {  	[tilespmem:s16], [sflag:$0x1] =	stream.indirect.gather [hbm4b:s5+s6], $0xC4, s15, s6, $0xb8;
	[tilespmem:$0x15FC0] =	vst v63  }
0x18: {  	s17 =	simm.s32 $0x150;
	s18 =	simm.s32 $0x10840  }
0x19: {  	[tilespmem:s18], [sflag:$0x1] =	stream.indirect.gather [hbm4b:s5+s6], $0xC4, s17, s6, $0xb8;
	[tilespmem:$0x15FC0] =	vst v63  }
0x1a: {  	s19 =	simm.s32 $0x188;
	s20 =	simm.s32 $0x13400;
	s21 =	simm.s32 $0x1  }
0x1b: {  	[tilespmem:s20], [sflag:$0x1] =	stream.indirect.gather [hbm4b:s5+s6], $0xC4, s19, s6, $0xb8;
	[tilespmem:$0x15FC0] =	vst v63  }
0x1c: {  	_ =	swait.ge [sflag:s21], $0x2AE0  }
0x1d: {  	[sflag:s21] =	ssyncset.done $0x0  }
0x1e: {  	[sflag:s21] =	ssyncadd.s32 $0xFFFFD520  }
0x1f: {  	_ =	swait.ge [sflag:s21], $0x2AE0  }
0x20: {  	[sflag:s21] =	ssyncset.done $0x0  }
0x21: {  	[sflag:s21] =	ssyncadd.s32 $0xFFFFD520  }
0x22: {  	_ =	swait.ge [sflag:s21], $0x2AE0  }
0x23: {  	[sflag:s21] =	ssyncset.done $0x0  }
0x24: {  	[sflag:s21] =	ssyncadd.s32 $0xFFFFD520  }
0x25: {  	_ =	swait.ge [sflag:s21], $0x2AE0  }
0x26: {  	[sflag:s21] =	ssyncset.done $0x0  }
0x27: {  	[sflag:s21] =	ssyncadd.s32 $0xFFFFD520  }
0x28: {  	_ =	swait.ge [sflag:s21], $0x2AE0  }
0x29: {  	[sflag:s21] =	ssyncset.done $0x0  }
0x2a: {  	[sflag:s21] =	ssyncadd.s32 $0xFFFFD520  }
0x2b: {  	_ =	swait.ge [sflag:s21], $0x2AE0  }
0x2c: {  	[sflag:s21] =	ssyncset.done $0x0  }
0x2d: {  	s23 =	ssub.s32 $0x2, s23;
	[sflag:s21] =	ssyncadd.s32 $0xFFFFD520  }
0x2e: {  	s25 =	sshrl.u32 s23, $0x1;
	_ =	swait.ge [sflag:s21], $0x2AE0  }
0x2f: {  	s23 =	ssub.s32 s23, s25;
	[sflag:s21] =	ssyncset.done $0x0  }
0x30: {  	s24 =	smul.u32 $0x2BC0, s24;
	s23 =	smax.u32 s23, $0x1;
	[sflag:s21] =	ssyncadd.s32 $0xFFFFD520  }
0x31: {  	p0 =	sne.s32 s23, $0x1;
	_ =	swait.ge [sflag:s21], $0x2AE0  }
.Ltmp0:
0x32: {  	s22 =	sadd.s32 s24, s22;
	[sflag:s21] =	ssyncset.done $0x0;
	(pc) =	sbr.rel @!p0 .LBB2_2-.Ltmp0, $4  }
0x33: {  	s22 =	sadd.s32 $0x968A00, s22;
	[sflag:s21] =	ssyncadd.s32 $0xFFFFD520  }
0x34: {  	[hbm4b:s22+s2] =	stream.linear.scatter [tilespmem:s7], [sflag:$0x2], $0x15E00, $0x38;
	[tilespmem:$0x15FC0] =	vst v63  }
0x35: {  	_ =	swait.ge [sflag:s3], $0x15E00  }
0x36: {  	s23 =	sadd.s32 $0xFFFFFFFF, s23;
	[sflag:s3] =	ssyncset.done $0x0  }
.LBB2_1:
0x37: {  	p0 =	sne.s32 s23, $0x1;
	s23 =	sadd.s32 $0xFFFFFFFF, s23;
	[sflag:s3] =	ssyncadd.s32 $0xFFFEA200  }
0x38: {  	[tilespmem:s2], [sflag:$0x2] =	stream.linear.gather [hbm4b:s4+s2], $0x1C0, $0x38;
	[tilespmem:$0x15FC0] =	vst v63  }
0x39: {  	_ =	swait.ge [sflag:s3], $0x1C0  }
0x3a: {  	[sflag:s3] =	ssyncset.done $0x0  }
0x3b: {  	[sflag:s3] =	ssyncadd.s32 $0xFFFFFE40  }
0x3c: {  	[tilespmem:s7], [sflag:$0x1] =	stream.indirect.gather [hbm4b:s5+s6], $0xC4, s2, s6, $0xb8;
	[tilespmem:$0x15FC0] =	vst v63  }
0x3d: {  	_ = 	snop  }
0x3e: {  	[tilespmem:s8], [sflag:$0x1] =	stream.indirect.gather [hbm4b:s5+s6], $0xC4, s6, s6, $0xb8;
	[tilespmem:$0x15FC0] =	vst v63  }
0x3f: {  	_ = 	snop  }
0x40: {  	[tilespmem:s10], [sflag:$0x1] =	stream.indirect.gather [hbm4b:s5+s6], $0xC4, s9, s6, $0xb8;
	[tilespmem:$0x15FC0] =	vst v63  }
0x41: {  	_ = 	snop  }
0x42: {  	[tilespmem:s12], [sflag:$0x1] =	stream.indirect.gather [hbm4b:s5+s6], $0xC4, s11, s6, $0xb8;
	[tilespmem:$0x15FC0] =	vst v63  }
0x43: {  	_ = 	snop  }
0x44: {  	[tilespmem:s14], [sflag:$0x1] =	stream.indirect.gather [hbm4b:s5+s6], $0xC4, s13, s6, $0xb8;
	[tilespmem:$0x15FC0] =	vst v63  }
0x45: {  	_ = 	snop  }
0x46: {  	[tilespmem:s16], [sflag:$0x1] =	stream.indirect.gather [hbm4b:s5+s6], $0xC4, s15, s6, $0xb8;
	[tilespmem:$0x15FC0] =	vst v63  }
0x47: {  	_ = 	snop  }
0x48: {  	[tilespmem:s18], [sflag:$0x1] =	stream.indirect.gather [hbm4b:s5+s6], $0xC4, s17, s6, $0xb8;
	[tilespmem:$0x15FC0] =	vst v63  }
0x49: {  	_ = 	snop  }
0x4a: {  	[tilespmem:s20], [sflag:$0x1] =	stream.indirect.gather [hbm4b:s5+s6], $0xC4, s19, s6, $0xb8;
	[tilespmem:$0x15FC0] =	vst v63  }
0x4b: {  	_ =	swait.ge [sflag:s21], $0x2AE0  }
0x4c: {  	[sflag:s21] =	ssyncset.done $0x0  }
0x4d: {  	[sflag:s21] =	ssyncadd.s32 $0xFFFFD520  }
0x4e: {  	_ =	swait.ge [sflag:s21], $0x2AE0  }
0x4f: {  	[sflag:s21] =	ssyncset.done $0x0  }
0x50: {  	[sflag:s21] =	ssyncadd.s32 $0xFFFFD520  }
0x51: {  	_ =	swait.ge [sflag:s21], $0x2AE0  }
0x52: {  	[sflag:s21] =	ssyncset.done $0x0  }
0x53: {  	[sflag:s21] =	ssyncadd.s32 $0xFFFFD520  }
0x54: {  	_ =	swait.ge [sflag:s21], $0x2AE0  }
0x55: {  	[sflag:s21] =	ssyncset.done $0x0  }
0x56: {  	[sflag:s21] =	ssyncadd.s32 $0xFFFFD520  }
0x57: {  	_ =	swait.ge [sflag:s21], $0x2AE0  }
0x58: {  	[sflag:s21] =	ssyncset.done $0x0  }
0x59: {  	[sflag:s21] =	ssyncadd.s32 $0xFFFFD520  }
0x5a: {  	_ =	swait.ge [sflag:s21], $0x2AE0  }
0x5b: {  	[sflag:s21] =	ssyncset.done $0x0  }
0x5c: {  	[sflag:s21] =	ssyncadd.s32 $0xFFFFD520  }
0x5d: {  	_ =	swait.ge [sflag:s21], $0x2AE0  }
0x5e: {  	[sflag:s21] =	ssyncset.done $0x0  }
0x5f: {  	[sflag:s21] =	ssyncadd.s32 $0xFFFFD520  }
0x60: {  	_ =	swait.ge [sflag:s21], $0x2AE0  }
.Ltmp1:
0x61: {  	[sflag:s21] =	ssyncset.done $0x0;
	(pc) =	sbr.rel @p0 .LBB2_1-.Ltmp1, $4  }
0x62: {  	[sflag:s21] =	ssyncadd.s32 $0xFFFFD520  }
0x63: {  	[hbm4b:s22+s2] =	stream.linear.scatter [tilespmem:s7], [sflag:$0x2], $0x15E00, $0x38;
	[tilespmem:$0x15FC0] =	vst v63  }
0x64: {  	_ =	swait.ge [sflag:s3], $0x15E00  }
0x65: {  	[sflag:s3] =	ssyncset.done $0x0  }
.LBB2_2:
0x66: {  	[sflag:s3] =	ssyncadd.s32 $0xFFFEA200  }
0x67: {  	_ =	sfence.sel $0x180000  }
0x68: {  	[bflag:$0x0] =	sbarrier.arrive $0xFFFF  }
0x69: {  	p0 =	sne.s32 s0, $0x0;
	_ =	strace $0x90000047  }
0x6a: {  	s0 =	sadd.s32 @!p0 $0x100000, s1;
	[bflag:$0x2] =	sbarrier.arrive $0xFFFF  }
0x6b: {  	[sflag:s0] =	ssyncadd.tile.s32 @!p0 $0x1;
	_ =	shalt  }
.Lfunc_end2:
_tile_overlayer_lowered:
.L_overlay_start_2:
0x6c: {  	(tag) =	ssettag $0x2  }
0x6d: {  	s0 =	rddreg [dreg:$0x0];
	s2 =	stileid.u32  }
0x6e: {  	s1 =	rddreg [dreg:$0x1];
	p0 =	sne.s32 s2, $0x0  }
0x6f: {  	s3 =	rddreg [dreg:$0x2];
	[bflag:$0x3] =	sbarrier.arrive $0xFFFF;
	s2 =	simm.s32 @!p0 $0x1C02  }
0x70: {  	[timem:s3], [sflag:s2] =	dma.local @!p0 [hbm:s0], s1  }
0x71: {  	s0 =	simm.s32 @!p0 $0x2  }
0x72: {  	_ =	swait.ge @!p0 [sflag:s0], s1  }
0x73: {  	s1 =	ssub.s32 @!p0 $0x0, s1;
	[sflag:s0] =	ssyncset.done @!p0 $0x0  }
0x74: {  	[sflag:s0] =	ssyncadd.s32 @!p0 s1  }
0x75: {  	[bflag:$0x3] =	sbarrier.arrive $0xFFFF  }
0x76: {  	_ =	shalt  }

</sc_bundles>
